<compile_context>
chip_gen: v7x
topology: tpu7x:2x2x1
jax: 0.10.2.dev20260603
libtpu: 0.0.44.dev20260713+nightly
codegen_flags: <defaults>
</compile_context>

<pallas_src>
import functools

import jax
import jax.numpy as jnp
from jax import lax
from jax.experimental import pallas as pl
from jax.experimental.pallas import tpu as pltpu
from jax.experimental.pallas import tpu_sc as plsc

N_NODES = 10000
N_EDGES = 320000
D_FEAT = 128

_NC, _NS = 2, 16
_NW = _NC * _NS
_E_PER = N_EDGES // _NW
_CHUNK = 16


def _scores_body(x_ref, w0_ref, w1_ref, b_ref, o0_ref, o1_ref):
    x = x_ref[...]
    o0_ref[...] = jnp.sum(x * w0_ref[...], axis=1) + b_ref[0, 0]
    o1_ref[...] = jnp.sum(x * w1_ref[...], axis=1)


_scores_call = pl.pallas_call(
    _scores_body,
    out_shape=[
        jax.ShapeDtypeStruct((N_NODES,), jnp.float32),
        jax.ShapeDtypeStruct((N_NODES,), jnp.float32),
    ],
)


_mesh = plsc.VectorSubcoreMesh(core_axis_name="c", subcore_axis_name="s")


@functools.partial(
    pl.kernel,
    mesh=_mesh,
    out_type=jax.ShapeDtypeStruct((N_EDGES,), jnp.float32),
    scratch_types=[
        pltpu.VMEM((N_NODES,), jnp.float32),
        pltpu.VMEM((N_NODES,), jnp.float32),
        pltpu.VMEM((_E_PER,), jnp.int32),
        pltpu.VMEM((_E_PER,), jnp.int32),
        pltpu.VMEM((_E_PER,), jnp.float32),
        pltpu.SemaphoreType.DMA,
        pltpu.SemaphoreType.DMA,
        pltpu.SemaphoreType.DMA,
        pltpu.SemaphoreType.DMA,
    ],
    compiler_params=pltpu.CompilerParams(needs_layout_passes=False),
)
def _edge_gather(
    s0_hbm, s1_hbm, src_hbm, tgt_hbm, out_hbm,
    s0_v, s1_v, src_v, tgt_v, out_v, sem0, sem1, sem2, sem3,
):
    wid = lax.axis_index("s") * _NC + lax.axis_index("c")
    base = wid * _E_PER
    cp0 = pltpu.async_copy(s0_hbm, s0_v, sem0)
    cp1 = pltpu.async_copy(s1_hbm, s1_v, sem1)
    cp2 = pltpu.async_copy(src_hbm.at[pl.ds(base, _E_PER)], src_v, sem2)
    cp3 = pltpu.async_copy(tgt_hbm.at[pl.ds(base, _E_PER)], tgt_v, sem3)
    cp0.wait()
    cp1.wait()
    cp2.wait()
    cp3.wait()

    @plsc.parallel_loop(0, _E_PER // _CHUNK, 1, unroll=8)
    def _loop(i):
        off = pl.multiple_of(i * _CHUNK, _CHUNK)
        si = src_v[pl.ds(off, _CHUNK)]
        ti = tgt_v[pl.ds(off, _CHUNK)]
        vs = plsc.load_gather(s0_v, [si])
        vt = plsc.load_gather(s1_v, [ti])
        out_v[pl.ds(off, _CHUNK)] = vs + vt

    pltpu.sync_copy(out_v, out_hbm.at[pl.ds(base, _E_PER)])


def kernel(source_nodes, target_nodes, node_features, W, b):
    src = source_nodes.astype(jnp.int32)
    tgt = target_nodes.astype(jnp.int32)
    w0 = W[:D_FEAT].reshape(1, D_FEAT)
    w1 = W[D_FEAT:].reshape(1, D_FEAT)
    b_s = b.reshape(1, 1)
    s0, s1 = _scores_call(node_features, w0, w1, b_s)
    return _edge_gather(s0, s1, src, tgt)

# --- scband reference (transcript-rebuilt; emitter-appended) ---
"""Pipeline reference for scband-linear-regression-baseline-33277406609527 (READ-ONLY COPY).

The authoritative reference and input builder live on the scoring server;
editing this copy changes nothing except your own understanding.
"""

import jax, jax.numpy as jnp
import numpy as np

N_NODES = 10000
N_EDGES = 320000
D_FEAT = 128


def setup_inputs(seed: int = 0) -> dict:
    key = jax.random.key(seed)
    k1, k2, k3, k4 = jax.random.split(key, 4)
    # learned/stored parameters: node feature table (registered buffer in torch module)
    node_features = jax.random.normal(k1, (N_NODES, D_FEAT), dtype=jnp.float32)
    # forward args: edge endpoint indices
    source_nodes = jax.random.randint(k2, (N_EDGES,), 0, N_NODES, dtype=jnp.int64)
    target_nodes = jax.random.randint(k3, (N_EDGES,), 0, N_NODES, dtype=jnp.int64)
    # linear head: in_features = 2 * D_FEAT, out_features = 1 (kaiming-uniform-ish scale)
    bound = 1.0 / np.sqrt(2 * D_FEAT)
    W = jax.random.uniform(k4, (2 * D_FEAT, 1), dtype=jnp.float32, minval=-bound, maxval=bound)
    b = jnp.zeros((1,), dtype=jnp.float32)
    return {"source_nodes": source_nodes, "target_nodes": target_nodes, "node_features": node_features, "W": W, "b": b}


def reference(source_nodes, target_nodes, node_features, W, b):
    # gather per-endpoint features (SparseCore-friendly embedding lookups)
    src_feat = jnp.take(node_features, source_nodes, axis=0)
    tgt_feat = jnp.take(node_features, target_nodes, axis=0)
    flow_features = jnp.concatenate((src_feat, tgt_feat), axis=1)
    out = flow_features @ W + b
    return out.reshape(-1)

if __name__ == "__main__":
    import jax
    _d = setup_inputs()
    print(jax.jit(kernel)(*tuple(_d.values())))

</pallas_src>

<mosaic_0001>
#map = affine_map<(d0, d1) -> (0)>
module attributes {stable_mosaic.version = 14 : i64} {
  func.func @_edge_gather(%arg0: i32, %arg1: i32, %arg2: memref<10000xf32, #tpu.memory_space<hbm>>, %arg3: memref<10000xf32, #tpu.memory_space<hbm>>, %arg4: memref<320000xi32, #tpu.memory_space<hbm>>, %arg5: memref<320000xi32, #tpu.memory_space<hbm>>, %arg6: memref<320000xf32, #tpu.memory_space<hbm>>, %arg7: memref<10000xf32, #tpu.memory_space<vmem>>, %arg8: memref<10000xf32, #tpu.memory_space<vmem>>, %arg9: memref<10000xi32, #tpu.memory_space<vmem>>, %arg10: memref<10000xi32, #tpu.memory_space<vmem>>, %arg11: memref<10000xf32, #tpu.memory_space<vmem>>, %arg12: memref<!tpu.dma_semaphore, #tpu.memory_space<semaphore_mem>>, %arg13: memref<!tpu.dma_semaphore, #tpu.memory_space<semaphore_mem>>, %arg14: memref<!tpu.dma_semaphore, #tpu.memory_space<semaphore_mem>>, %arg15: memref<!tpu.dma_semaphore, #tpu.memory_space<semaphore_mem>>) attributes {dimension_semantics = [#tpu.dimension_semantics<core_parallel>, #tpu.dimension_semantics<subcore_parallel>], iteration_bounds = array<i64: 2, 16>, scalar_prefetch = 0 : i64, scratch_operands = 9 : i64, tpu.core_type = #tpu.core_type<sc_vector_subcore>, window_params = [{transform_indices = #map}, {transform_indices = #map}, {transform_indices = #map}, {transform_indices = #map}, {transform_indices = #map}]} {
    %mul3A = arith.constant 2 : i32
    %mul3A_0 = arith.muli %arg1, %mul3A : i32
    %add3A = arith.addi %mul3A_0, %arg0 : i32
    %mul3A_1 = arith.constant 10000 : i32
    %mul3A_2 = arith.muli %add3A, %mul3A_1 : i32
    tpu.enqueue_dma source(%arg2 : memref<10000xf32, #tpu.memory_space<hbm>>) target(%arg7 : memref<10000xf32, #tpu.memory_space<vmem>>) target_semaphore(%arg12 : memref<!tpu.dma_semaphore, #tpu.memory_space<semaphore_mem>>)
    tpu.enqueue_dma source(%arg3 : memref<10000xf32, #tpu.memory_space<hbm>>) target(%arg8 : memref<10000xf32, #tpu.memory_space<vmem>>) target_semaphore(%arg13 : memref<!tpu.dma_semaphore, #tpu.memory_space<semaphore_mem>>)
    %dma_start3A = tpu.memref_slice %arg4[%mul3A_2] : memref<320000xi32, #tpu.memory_space<hbm>> -> memref<10000xi32, #tpu.memory_space<hbm>>
    %dma_start3A_3 = tpu.memref_slice %arg4[%mul3A_2] : memref<320000xi32, #tpu.memory_space<hbm>> -> memref<10000xi32, #tpu.memory_space<hbm>>
    tpu.enqueue_dma source(%dma_start3A_3 : memref<10000xi32, #tpu.memory_space<hbm>>) target(%arg9 : memref<10000xi32, #tpu.memory_space<vmem>>) target_semaphore(%arg14 : memref<!tpu.dma_semaphore, #tpu.memory_space<semaphore_mem>>)
    %dma_start3A_4 = tpu.memref_slice %arg5[%mul3A_2] : memref<320000xi32, #tpu.memory_space<hbm>> -> memref<10000xi32, #tpu.memory_space<hbm>>
    %dma_start3A_5 = tpu.memref_slice %arg5[%mul3A_2] : memref<320000xi32, #tpu.memory_space<hbm>> -> memref<10000xi32, #tpu.memory_space<hbm>>
    tpu.enqueue_dma source(%dma_start3A_5 : memref<10000xi32, #tpu.memory_space<hbm>>) target(%arg10 : memref<10000xi32, #tpu.memory_space<vmem>>) target_semaphore(%arg15 : memref<!tpu.dma_semaphore, #tpu.memory_space<semaphore_mem>>)
    tpu.wait_dma2 semaphore(%arg12 : memref<!tpu.dma_semaphore, #tpu.memory_space<semaphore_mem>>) src(%arg2 : memref<10000xf32, #tpu.memory_space<hbm>>) dst(%arg7 : memref<10000xf32, #tpu.memory_space<vmem>>)
    tpu.wait_dma2 semaphore(%arg13 : memref<!tpu.dma_semaphore, #tpu.memory_space<semaphore_mem>>) src(%arg3 : memref<10000xf32, #tpu.memory_space<hbm>>) dst(%arg8 : memref<10000xf32, #tpu.memory_space<vmem>>)
    %dma_wait3A = tpu.memref_slice %arg4[%mul3A_2] : memref<320000xi32, #tpu.memory_space<hbm>> -> memref<10000xi32, #tpu.memory_space<hbm>>
    %dma_wait3A_6 = tpu.memref_slice %arg4[%mul3A_2] : memref<320000xi32, #tpu.memory_space<hbm>> -> memref<10000xi32, #tpu.memory_space<hbm>>
    tpu.wait_dma2 semaphore(%arg14 : memref<!tpu.dma_semaphore, #tpu.memory_space<semaphore_mem>>) src(%dma_wait3A_6 : memref<10000xi32, #tpu.memory_space<hbm>>) dst(%arg9 : memref<10000xi32, #tpu.memory_space<vmem>>)
    %dma_wait3A_7 = tpu.memref_slice %arg5[%mul3A_2] : memref<320000xi32, #tpu.memory_space<hbm>> -> memref<10000xi32, #tpu.memory_space<hbm>>
    %dma_wait3A_8 = tpu.memref_slice %arg5[%mul3A_2] : memref<320000xi32, #tpu.memory_space<hbm>> -> memref<10000xi32, #tpu.memory_space<hbm>>
    tpu.wait_dma2 semaphore(%arg15 : memref<!tpu.dma_semaphore, #tpu.memory_space<semaphore_mem>>) src(%dma_wait3A_8 : memref<10000xi32, #tpu.memory_space<hbm>>) dst(%arg10 : memref<10000xi32, #tpu.memory_space<vmem>>)
    %parallel_loop3A = arith.constant 0 : i32
    %parallel_loop3A_9 = arith.constant 625 : i32
    %parallel_loop3A_10 = arith.constant 1 : i32
    scf.for %parallel_loop3A_11 = %parallel_loop3A to %parallel_loop3A_9 step %parallel_loop3A_10  : i32 {
      %parallel_loop3A_12 = arith.constant 16 : i32
      %parallel_loop3A_13 = arith.muli %parallel_loop3A_11, %parallel_loop3A_12 : i32
      %parallel_loop3A_14 = tpu.assume_multiple %parallel_loop3A_13, 16 : i32
      %parallel_loop3A_15 = arith.index_cast %parallel_loop3A_14 : i32 to index
      %parallel_loop3A_16 = tpu.vector_load %arg9[%parallel_loop3A_15] {strides = array<i32>} : memref<10000xi32, #tpu.memory_space<vmem>>, vector<16xi32>,
      %parallel_loop3A_17 = arith.index_cast %parallel_loop3A_14 : i32 to index
      %parallel_loop3A_18 = tpu.vector_load %arg10[%parallel_loop3A_17] {strides = array<i32>} : memref<10000xi32, #tpu.memory_space<vmem>>, vector<16xi32>,
      %parallel_loop3A_19 = tpu.vector_load_idx %arg7[%parallel_loop3A_16] : memref<10000xf32, #tpu.memory_space<vmem>>[vector<16xi32>], vector<16xf32>,
      %parallel_loop3A_20 = tpu.vector_load_idx %arg8[%parallel_loop3A_18] : memref<10000xf32, #tpu.memory_space<vmem>>[vector<16xi32>], vector<16xf32>,
      %parallel_loop3A_21 = arith.addf %parallel_loop3A_19, %parallel_loop3A_20 : vector<16xf32>
      %parallel_loop3A_22 = arith.index_cast %parallel_loop3A_14 : i32 to index
      %parallel_loop3A_23 = tpu.vector_load %arg11[%parallel_loop3A_22] {strides = array<i32>} : memref<10000xf32, #tpu.memory_space<vmem>>, vector<16xf32>,
      tpu.vector_store %arg11[%parallel_loop3A_22], %parallel_loop3A_21 {strides = array<i32>} : memref<10000xf32, #tpu.memory_space<vmem>>, vector<16xf32>,
    } {sc.loop_unroll_factor = 8 : i64, sc.parallel_access}
    "tpu.region"() ({
      %run_scoped3A = tpu.sem_alloc : memref<!tpu.dma_semaphore, #tpu.memory_space<semaphore_mem>>
      %dma_start3A_11 = tpu.memref_slice %arg6[%mul3A_2] : memref<320000xf32, #tpu.memory_space<hbm>> -> memref<10000xf32, #tpu.memory_space<hbm>>
      %dma_start3A_12 = tpu.memref_slice %arg6[%mul3A_2] : memref<320000xf32, #tpu.memory_space<hbm>> -> memref<10000xf32, #tpu.memory_space<hbm>>
      tpu.enqueue_dma source(%arg11 : memref<10000xf32, #tpu.memory_space<vmem>>) target(%dma_start3A_12 : memref<10000xf32, #tpu.memory_space<hbm>>) target_semaphore(%run_scoped3A : memref<!tpu.dma_semaphore, #tpu.memory_space<semaphore_mem>>)
      %dma_wait3A_13 = tpu.memref_slice %arg6[%mul3A_2] : memref<320000xf32, #tpu.memory_space<hbm>> -> memref<10000xf32, #tpu.memory_space<hbm>>
      %dma_wait3A_14 = tpu.memref_slice %arg6[%mul3A_2] : memref<320000xf32, #tpu.memory_space<hbm>> -> memref<10000xf32, #tpu.memory_space<hbm>>
      tpu.wait_dma2 semaphore(%run_scoped3A : memref<!tpu.dma_semaphore, #tpu.memory_space<semaphore_mem>>) src(%arg11 : memref<10000xf32, #tpu.memory_space<vmem>>) dst(%dma_wait3A_14 : memref<10000xf32, #tpu.memory_space<hbm>>)
      tpu.yield
    }) : () -> ()
    return
  }
}

module attributes {stable_mosaic.version = 14 : i64} {
  func.func @_scores_body(%arg0: memref<10000x128xf32, #tpu.memory_space<vmem>>, %arg1: memref<1x128xf32, #tpu.memory_space<vmem>>, %arg2: memref<1x128xf32, #tpu.memory_space<vmem>>, %arg3: memref<1x1xf32, #tpu.memory_space<vmem>>, %arg4: memref<10000xf32, #tpu.memory_space<vmem>>, %arg5: memref<10000xf32, #tpu.memory_space<vmem>>) attributes {dimension_semantics = [], scalar_prefetch = 0 : i64, scratch_operands = 0 : i64, tpu.core_type = #tpu.core_type<tc>} {
    %get3A = arith.constant 0 : index
    %get3A_0 = arith.constant 0 : index
    %get3A_1 = vector.load %arg0[%get3A, %get3A_0] : memref<10000x128xf32, #tpu.memory_space<vmem>>, vector<10000x128xf32>
    %get3A_2 = arith.constant 0 : index
    %get3A_3 = arith.constant 0 : index
    %get3A_4 = vector.load %arg1[%get3A_2, %get3A_3] : memref<1x128xf32, #tpu.memory_space<vmem>>, vector<1x128xf32>
    %mul3A = vector.broadcast %get3A_4 : vector<1x128xf32> to vector<10000x128xf32>
    %mul3A_5 = arith.mulf %get3A_1, %mul3A : vector<10000x128xf32>
    %reduce_sum3A = arith.constant dense<0.000000e+00> : vector<10000xf32>
    %reduce_sum3A_6 = vector.multi_reduction <add>, %mul3A_5, %reduce_sum3A [1] : vector<10000x128xf32> to vector<10000xf32>
    %get3A_7 = arith.constant 0 : index
    %get3A_8 = arith.constant 0 : index
    %get3A_9 = vector.load %arg3[%get3A_7, %get3A_8] : memref<1x1xf32, #tpu.memory_space<vmem>>, vector<1x1xf32>
    %get3A_10 = vector.extract %get3A_9[0, 0] : f32 from vector<1x1xf32>
    %add3A = vector.broadcast %get3A_10 : f32 to vector<10000xf32>
    %add3A_11 = arith.addf %reduce_sum3A_6, %add3A : vector<10000xf32>
    %swap3A = arith.constant 0 : index
    %swap3A_12 = vector.load %arg4[%swap3A] : memref<10000xf32, #tpu.memory_space<vmem>>, vector<10000xf32>
    tpu.vector_store %arg4[%swap3A], %add3A_11 {strides = array<i32>} : memref<10000xf32, #tpu.memory_space<vmem>>, vector<10000xf32>,
    %get3A_13 = arith.constant 0 : index
    %get3A_14 = arith.constant 0 : index
    %get3A_15 = vector.load %arg2[%get3A_13, %get3A_14] : memref<1x128xf32, #tpu.memory_space<vmem>>, vector<1x128xf32>
    %mul3A_16 = vector.broadcast %get3A_15 : vector<1x128xf32> to vector<10000x128xf32>
    %mul3A_17 = arith.mulf %get3A_1, %mul3A_16 : vector<10000x128xf32>
    %reduce_sum3A_18 = arith.constant dense<0.000000e+00> : vector<10000xf32>
    %reduce_sum3A_19 = vector.multi_reduction <add>, %mul3A_17, %reduce_sum3A_18 [1] : vector<10000x128xf32> to vector<10000xf32>
    %swap3A_20 = arith.constant 0 : index
    %swap3A_21 = vector.load %arg5[%swap3A_20] : memref<10000xf32, #tpu.memory_space<vmem>>, vector<10000xf32>
    tpu.vector_store %arg5[%swap3A_20], %reduce_sum3A_19 {strides = array<i32>} : memref<10000xf32, #tpu.memory_space<vmem>>, vector<10000xf32>,
    return
  }
}

</mosaic_0001>

<sc_bundles>
// kernel: kernel.4.cloned.1.call-start
scs
__scs_entry_jumppad:
0x0: {  	(pc) =	sbr.rel $0x88, $3  }
0x1: {  	(tag) =	ssettag $0x0;
	lr =	simm.s32 $0x1  }
0x2: {  	[smem:$0x3F9C] =	sst lr;
	_ =	strace $0xD0000000  }
0x3: {  	_ = 	snop  }
0x4: {  	_ = 	snop  }
0x5: {  	_ = 	snop  }
0x6: {  	_ = 	snop  }
0x7: {  	_ = 	snop  }
__scs_overlays_trampoline_lowered:
0x8: {  	[smem:$0x3FAB] =	sst s0  }
0x9: {  	[smem:$0x3FAC] =	sst s1  }
0xa: {  	[smem:$0x3FAD] =	sst s2  }
0xb: {  	[smem:$0x3FAE] =	sst s3  }
0xc: {  	[smem:$0x3FAF] =	sst s4  }
0xd: {  	[smem:$0x3FB0] =	sst s5  }
0xe: {  	[smem:$0x3FB1] =	sst s6  }
0xf: {  	[smem:$0x3FB2] =	sst s7  }
0x10: {  	[smem:$0x3FB3] =	sst s8  }
0x11: {  	[smem:$0x3FB4] =	sst s9;
	s0 =	simm.s32 @!p0 $0x0  }
0x12: {  	s1 =	sld [smem:$0x3F9A];
	s0 =	simm.s32 @p0 $0x1  }
0x13: {  	[smem:$0x3FB5] =	sst s0;
	s0 =	simm.s32 @!p1 $0x0  }
0x14: {  	s2 =	sld [smem:$0x3F99];
	s0 =	simm.s32 @p1 $0x1  }
0x15: {  	[smem:$0x3FB6] =	sst s0;
	s0 =	simm.s32 @!p2 $0x0  }
0x16: {  	s3 =	sld [smem:$0x3FDB];
	s0 =	simm.s32 @p2 $0x1  }
0x17: {  	s4 =	simm.s32 $0x1BF5;
	[smem:$0x3FB8] =	sst s0  }
0x18: {  	s0 =	sld [smem:$0x3F9B];
	_ =	swait.ge [sflag:s4], $0x0  }
0x19: {  	s7 =	sld [smem:$0x3F9C]  }
0x1a: {  	s8 =	sadd.s32 $0xFFFFE003, lr  }
0x1b: {  	s9 =	sadd.s32 $0xFFFFFEF7, lr;
	s5 =	simm.s32 $0xFFFFFFFF;
	p2 =	slt.u32 s8, $0xFFFFF086  }
0x1c: {  	p1 =	slt.u32 s9, $0xF7A;
	s5 =	simm.s32 @!p2 $0x0  }
0x1d: {  	s5 =	simm.s32 @p1 $0x1;
	p0 =	seq.s32 s7, s2  }
0x1e: {  	s7 =	smul.u32 @!p0 $0xF7A, s2;
	p2 =	seq.s32 @!p0 s5, $0x0  }
0x1f: {  	s9 =	smul.u32 $0xF7A, s1;
	s8 =	simm.s32 @!p0 $0x1BF5;
	p2 =	por !p2, p0  }
0x20: {  	[sflag:s8] =	ssyncset.s32 @!p0 $0xFFFFF086;
	s6 =	sadd.s32 @!p0 s3, s7;
	s7 =	simm.s32 @!p0 $0x108  }
0x21: {  	s3 =	sadd.s32 s3, s9;
	s6 =	sadd.s32 @!p0 $0x88, s6;
	s7 =	simm.s32 @p2 $0x1082  }
0x22: {  	[simem:s7], [sflag:s8] =	dma.local @!p0 [hbm:s6], $0xF7A  }
0x23: {  	s9 =	sor.u32 $0xD0000000, s2;
	s6 =	simm.s32 $0x108;
	_ =	swait.ge @!p0 [sflag:s8], $0x0  }
0x24: {  	s3 =	sadd.s32 $0x88, s3;
	s6 =	simm.s32 @!p1 $0x1082;
	[sflag:s4] =	ssyncset.s32 $0xFFFFF086  }
0x25: {  	[simem:s6], [sflag:s4] =	dma.local [hbm:s3], $0xF7A  }
0x26: {  	[smem:$0x3F9C] =	sst s1;
	(tag) =	ssettag s2;
	_ =	strace s9  }
0x27: {  	s1 =	sld [smem:$0x3FAC]  }
0x28: {  	s2 =	sld [smem:$0x3FAD]  }
0x29: {  	s4 =	sld [smem:$0x3FAF]  }
0x2a: {  	p0 =	seq.s32 s5, $0x0;
	s5 =	sld [smem:$0x3FB0]  }
0x2b: {  	s6 =	sld [smem:$0x3FB1]  }
0x2c: {  	s7 =	sld [smem:$0x3FB2]  }
0x2d: {  	s3 =	simm.s32 $0x108;
	s8 =	sld [smem:$0x3FB3]  }
0x2e: {  	s3 =	simm.s32 @!p0 $0x1082;
	s9 =	sld [smem:$0x3FB4]  }
0x2f: {  	lr =	sadd.s32 s0, s3;
	s0 =	sld [smem:$0x3FAB]  }
0x30: {  	s3 =	sld [smem:$0x3FAE]  }
0x31: {  	[smem:$0x3FB7] =	sst s10  }
0x32: {  	s10 =	sld [smem:$0x3FB5];
	_ =	sdelay $0x3  }
0x33: {  	p0 =	seq.s32 s10, $0x1;
	s10 =	sld [smem:$0x3FB7];
	_ =	sdelay $0x3  }
0x34: {  	[smem:$0x3FB7] =	sst s10  }
0x35: {  	s10 =	sld [smem:$0x3FB6];
	_ =	sdelay $0x3  }
0x36: {  	p1 =	seq.s32 s10, $0x1;
	s10 =	sld [smem:$0x3FB7];
	_ =	sdelay $0x3  }
0x37: {  	[smem:$0x3FB7] =	sst s10  }
0x38: {  	s10 =	sld [smem:$0x3FB8]  }
0x39: {  	_ = 	snop;
	(pc) =	sbr.ind lr, $3  }
0x3a: {  	_ = 	snop  }
0x3b: {  	_ = 	snop  }
0x3c: {  	p2 =	seq.s32 s10, $0x1;
	s10 =	sld [smem:$0x3FB7]  }
0x3d: {  	_ =	shalt  }
0x3e: {  	_ =	shalt  }
0x3f: {  	_ =	shalt  }
0x40: {  	_ =	shalt  }
0x41: {  	_ =	shalt  }
0x42: {  	_ =	shalt  }
0x43: {  	_ =	shalt  }
0x44: {  	_ =	shalt  }
0x45: {  	_ =	shalt  }
0x46: {  	_ =	shalt  }
0x47: {  	_ =	shalt  }
0x48: {  	_ =	shalt  }
0x49: {  	_ =	shalt  }
0x4a: {  	_ =	shalt  }
0x4b: {  	_ =	shalt  }
0x4c: {  	_ =	shalt  }
0x4d: {  	_ =	shalt  }
0x4e: {  	_ =	shalt  }
0x4f: {  	_ =	shalt  }
0x50: {  	_ =	shalt  }
0x51: {  	_ =	shalt  }
0x52: {  	_ =	shalt  }
0x53: {  	_ =	shalt  }
0x54: {  	_ =	shalt  }
0x55: {  	_ =	shalt  }
0x56: {  	_ =	shalt  }
0x57: {  	_ =	shalt  }
0x58: {  	_ =	shalt  }
0x59: {  	_ =	shalt  }
0x5a: {  	_ =	shalt  }
0x5b: {  	_ =	shalt  }
0x5c: {  	_ =	shalt  }
0x5d: {  	_ =	shalt  }
0x5e: {  	_ =	shalt  }
0x5f: {  	_ =	shalt  }
0x60: {  	_ =	shalt  }
0x61: {  	_ =	shalt  }
0x62: {  	_ =	shalt  }
0x63: {  	_ =	shalt  }
0x64: {  	_ =	shalt  }
0x65: {  	_ =	shalt  }
0x66: {  	_ =	shalt  }
0x67: {  	_ =	shalt  }
0x68: {  	_ =	shalt  }
0x69: {  	_ =	shalt  }
0x6a: {  	_ =	shalt  }
0x6b: {  	_ =	shalt  }
0x6c: {  	_ =	shalt  }
0x6d: {  	_ =	shalt  }
0x6e: {  	_ =	shalt  }
0x6f: {  	_ =	shalt  }
0x70: {  	_ =	shalt  }
0x71: {  	_ =	shalt  }
0x72: {  	_ =	shalt  }
0x73: {  	_ =	shalt  }
0x74: {  	_ =	shalt  }
0x75: {  	_ =	shalt  }
0x76: {  	_ =	shalt  }
0x77: {  	_ =	shalt  }
0x78: {  	_ =	shalt  }
0x79: {  	_ =	shalt  }
0x7a: {  	_ =	shalt  }
0x7b: {  	_ =	shalt  }
0x7c: {  	_ =	shalt  }
0x7d: {  	_ =	shalt  }
0x7e: {  	_ =	shalt  }
0x7f: {  	_ =	shalt  }
0x80: {  	_ =	shalt  }
0x81: {  	_ =	shalt  }
0x82: {  	_ =	shalt  }
0x83: {  	_ =	shalt  }
0x84: {  	_ =	shalt  }
0x85: {  	_ =	shalt  }
0x86: {  	_ =	shalt  }
0x87: {  	_ =	shalt  }
.Lfunc_end0:
.L_simem_size_0:
called_computation_lowered:
.L_overlay_start_0:
0x88: {  	s2 =	sld [smem:$0x3FD9]  }
0x89: {  	s3 =	sld [smem:$0x3FFE];
	_ =	sdelay $0x1  }
0x8a: {  	s1 =	srdreg.scid  }
0x8b: {  	s0 =	sand.u32 $0x1, s1  }
0x8c: {  	s17 =	sshll.u32 s0, $0xA;
	s2 =	sadd.s32 s3, s2  }
0x8d: {  	s2 =	sadd.s32 s2, s17  }
0x8e: {  	[smem:$0x3FC3] =	sst s2  }
0x8f: {  	_ = 	snop  }
0x90: {  	s2 =	sld [smem:$0x3FC9]  }
0x91: {  	s18 =	sld [smem:$0x3FC8]  }
0x92: {  	s4 =	sld [smem:$0x3FD0];
	(tm) =	ssettm $0x1  }
0x93: {  	s5 =	sld [smem:$0x3FFB];
	_ =	sdelay $0x3  }
0x94: {  	_ =	strace s5  }
0x95: {  	s5 =	sld [smem:$0x3FFC];
	_ =	sdelay $0x3  }
0x96: {  	_ =	strace s5  }
0x97: {  	s5 =	sld [smem:$0x3FFD];
	_ =	sdelay $0x3  }
0x98: {  	_ =	strace s5  }
0x99: {  	_ =	strace $0x8FFFFFFF  }
0x9a: {  	s19 =	sld [smem:$0x3FDB];
	_ =	sdelay $0x1  }
0x9b: {  	s6 =	simm.s32 $_scs_section_size  }
0x9c: {  	s7 =	simm.s32 $_size__tile_overlayer_lowered;
	s8 =	simm.s32 $_tile_overlayer_lowered  }
0x9d: {  	s22 =	simm.s32 $0x1BFF;
	s21 =	sshll.u32 s8, $0x1;
	s5 =	sadd.s32 s6, s19  }
0x9e: {  	s9 =	simm.s32 $0x0;
	s20 =	sshll.u32 s7, $0x1;
	s7 =	sadd.s32 s21, s5  }
0x9f: {  	[timem:s9], [sflag:s22] =	dma.local [hbm:s7], s20  }
0xa0: {  	_ =	swait.ge [sflag:s22], s20  }
0xa1: {  	s6 =	ssub.s32 $0x0, s20;
	[sflag:s22] =	ssyncset.done $0x0  }
0xa2: {  	[sflag:s22] =	ssyncadd.s32 s6;
	_ =	sdelay $0x1  }
0xa3: {  	s23 =	simm.s32 $0x1B8B  }
0xa4: {  	_ =	swait.ge [sflag:s23], $0x1  }
0xa5: {  	[sflag:s23] =	ssyncset.done $0x0  }
0xa6: {  	s25 =	simm.s32 $0x1B8E;
	s24 =	sld [smem:$0x3FFE];
	[sflag:s23] =	ssyncadd.s32 $0xFFFFFFFF  }
0xa7: {  	s26 =	simm.s32 $execute0_lowered;
	[smem:$0x3FD2] =	sst s25  }
0xa8: {  	s7 =	sshll.u32 s26, $0x1;
	_ =	strace $0x80000046;
	[dreg:$0x1] =	wrdreg $0xFFFFFFFF  }
0xa9: {  	s28 =	simm.s32 $_size_execute0_lowered;
	s5 =	sadd.s32 s5, s7;
	[dreg:$0x0] =	wrdreg $0x0  }
0xaa: {  	s7 =	sshll.u32 s28, $0x1;
	[dreg:$0x2] =	wrdreg s5  }
0xab: {  	[dreg:$0x3] =	wrdreg s7  }
0xac: {  	[dreg:$0x4] =	wrdreg $0xC0  }
0xad: {  	_ =	task [dreg:s9], $0x5FFFF  }
0xae: {  	[dreg:$0x1] =	wrdreg $0xFFFFFFFF  }
0xaf: {  	[dreg:$0x0] =	wrdreg $0x60  }
0xb0: {  	[dreg:$0x2] =	wrdreg s24  }
0xb1: {  	[dreg:$0x3] =	wrdreg s2  }
0xb2: {  	[dreg:$0x4] =	wrdreg s18  }
0xb3: {  	[dreg:$0x5] =	wrdreg s4  }
0xb4: {  	[dreg:$0x6] =	wrdreg $0x9  }
0xb5: {  	_ =	task.clear_ibuf [dreg:s9], $0x7FFFF;
	_ =	strace $0x90000046  }
0xb6: {  	s29 =	simm.s32 $0x9;
	_ =	strace $0x80000048  }
0xb7: {  	_ =	swait.ge [sflag:s29], $0x1  }
0xb8: {  	[sflag:s29] =	ssyncadd.s32 $0xFFFFFFFF  }
0xb9: {  	_ =	strace $0x90000048  }
0xba: {  	_ =	sfence  }
0xbb: {  	s30 =	sld [smem:$0x0];
	_ =	sdelay $0x2  }
0xbc: {  	s31 =	sshll.u32 s1, $0xD;
	s1 =	sshrl.u32 s1, $0x2  }
0xbd: {  	s3 =	sand.u32 $0x4000, s31;
	s1 =	sadd.s32 s1, s30  }
0xbe: {  	s0 =	sor.u32 s3, s0;
	s1 =	sshll.u32 s1, $0x11  }
0xbf: {  	s0 =	sor.u32 s1, s0  }
0xc0: {  	s0 =	sadd.s32 $0x8F2B, s0  }
0xc1: {  	[sflag:s0] =	ssyncadd.remote.s32 $0x1  }
0xc2: {  	_ =	sfence.sel $0xFFFF  }
0xc3: {  	[dreg:$0x0] =	wrdreg $0xFFFFFFFF;
	(pc) =	sbr.abs _section_cstart, $3  }
0xc4: {  	[dreg:$0x1] =	wrdreg $0xFFFFFFFF  }
0xc5: {  	_ =	task.clear_ibuf [dreg:s9], $0x2FFFF;
	_ =	strace $0x9FFFFFFF  }
0xc6: {  	(tm) =	ssettm $0x7FFFFFFF  }
0xc7: {  	_ =	shalt  }
tec
execute0_lowered:
.L_overlay_start_1:
0x0: {  	(tag) =	ssettag $0x1  }
0x1: {  	s4 =	rddreg [dreg:$0x0]  }
0x2: {  	s5 =	rddreg [dreg:$0x1]  }
0x3: {  	s6 =	rddreg [dreg:$0x2]  }
0x4: {  	s7 =	rddreg [dreg:$0x3]  }
0x5: {  	s0 =	rddreg [dreg:$0x4];
	s3 =	srdreg.scid  }
0x6: {  	s1 =	stileid.u32;
	s2 =	simm.s32 $0x0;
	s11 =	simm.s32 $0x7680  }
0x7: {  	s12 =	simm.s32 $0x1;
	s13 =	simm.s32 $0x2;
	s14 =	simm.s32 $0x3  }
0x8: {  	s15 =	simm.s32 $0x4;
	s16 =	simm.s32 $0x9E00;
	s17 =	simm.s32 $0x5  }
0x9: {  	s18 =	simm.s32 $0x0;
	s3 =	sand.u32 $0x1, s3;
	s8 =	sshll.u32 s1, $0x1  }
0xa: {  	[smem:$0x7FF] =	sst s2;
	s8 =	sor.u32 s3, s8;
	s9 =	ssub.s32 $0x2, s3  }
0xb: {  	_ =	strace $0x80000047;
	s8 =	smul.u32 $0x4E2, s8;
	s10 =	sshrl.u32 s9, $0x1  }
0xc: {  	s3 =	sadd.s32 $0xE00, s4;
	s4 =	sadd.s32 $0x1400, s4;
	s9 =	ssub.s32 s9, s10  }
0xd: {  	s10 =	simm.s32 $0x4F00;
	s5 =	sadd.s32 s5, s8;
	s6 =	sadd.s32 s6, s8  }
0xe: {  	s7 =	sadd.s32 s7, s8;
	s8 =	smax.u32 s9, $0x1;
	s9 =	simm.s32 $0x2780  }
.LBB2_1:
0xf: {  	[tilespmem:s2], [sflag:$0x1] =	stream.linear.gather [hbm4b:s3+s2], $0x2780, $0x38;
	[tilespmem:$0xC580] =	vst v63  }
0x10: {  	_ = 	snop  }
0x11: {  	[tilespmem:s9], [sflag:$0x2] =	stream.linear.gather [hbm4b:s4+s2], $0x2780, $0x38;
	[tilespmem:$0xC580] =	vst v63  }
0x12: {  	_ = 	snop  }
0x13: {  	[tilespmem:s10], [sflag:$0x3] =	stream.linear.gather [hbm4b:s5+s2], $0x2710, $0x38;
	[tilespmem:$0xC580] =	vst v63  }
0x14: {  	_ = 	snop  }
0x15: {  	[tilespmem:s11], [sflag:$0x4] =	stream.linear.gather [hbm4b:s6+s2], $0x2710, $0x38;
	[tilespmem:$0xC580] =	vst v63  }
0x16: {  	_ =	swait.ge [sflag:s12], $0x2780  }
0x17: {  	[sflag:s12] =	ssyncset.done $0x0  }
0x18: {  	[sflag:s12] =	ssyncadd.s32 $0xFFFFD880  }
0x19: {  	_ =	swait.ge [sflag:s13], $0x2780  }
0x1a: {  	[sflag:s13] =	ssyncset.done $0x0  }
0x1b: {  	[sflag:s13] =	ssyncadd.s32 $0xFFFFD880  }
0x1c: {  	_ =	swait.ge [sflag:s14], $0x2710  }
0x1d: {  	[sflag:s14] =	ssyncset.done $0x0  }
0x1e: {  	[sflag:s14] =	ssyncadd.s32 $0xFFFFD8F0  }
0x1f: {  	_ =	swait.ge [sflag:s15], $0x2710  }
0x20: {  	[sflag:s15] =	ssyncset.done $0x0  }
0x21: {  	s20 =	simm.s32 $0x4F40;
	[sflag:s15] =	ssyncadd.s32 $0xFFFFD8F0  }
0x22: {  	s19 =	simm.s32 $0x76C0;
	v0 =	vld [tilespmem:s20+$0x30]  }
0x23: {  	v1 =	vld [tilespmem:s19+$0x30]  }
0x24: {  	v2 =	vld [tilespmem:s19+$0xFFFFFFC0]  }
0x25: {  	v3 =	vld [tilespmem:s20+$0xFFFFFFD0]  }
0x26: {  	v4 =	vld [tilespmem:s19+$0xFFFFFFD0]  }
0x27: {  	v5 =	vld [tilespmem:s20+$0xFFFFFFE0]  }
0x28: {  	v6 =	vld [tilespmem:s19+$0xFFFFFFE0]  }
0x29: {  	v7 =	vld [tilespmem:s20+$0xFFFFFFF0]  }
0x2a: {  	v9 =	vld [tilespmem:s20+$0x0]  }
0x2b: {  	v10 =	vld [tilespmem:s19+$0x0]  }
0x2c: {  	v11 =	vld [tilespmem:s20+$0x10]  }
0x2d: {  	v12 =	vld [tilespmem:s19+$0x10]  }
0x2e: {  	v13 =	vld [tilespmem:s20+$0x20]  }
0x2f: {  	v14 =	vld [tilespmem:s19+$0x20]  }
0x30: {  	v15 =	vld [tilespmem:s20+$0xFFFFFFC0]  }
0x31: {  	v8 =	vld.idx.msk [tilespmem:v0+s2+$0x0], $0xffff  }
0x32: {  	v1 =	vld.idx.msk [tilespmem:v1+s9+$0x0], $0xffff  }
0x33: {  	v0 =	vld [tilespmem:s19+$0xFFFFFFF0]  }
0x34: {  	v16 =	vld.idx.msk [tilespmem:v2+s9+$0x0], $0xffff  }
0x35: {  	v3 =	vld.idx.msk [tilespmem:v3+s2+$0x0], $0xffff  }
0x36: {  	v4 =	vld.idx.msk [tilespmem:v4+s9+$0x0], $0xffff  }
0x37: {  	v5 =	vld.idx.msk [tilespmem:v5+s2+$0x0], $0xffff  }
0x38: {  	v6 =	vld.idx.msk [tilespmem:v6+s9+$0x0], $0xffff  }
0x39: {  	v7 =	vld.idx.msk [tilespmem:v7+s2+$0x0], $0xffff  }
0x3a: {  	v15 =	vld.idx.msk [tilespmem:v15+s2+$0x0], $0xffff  }
0x3b: {  	v17 =	vld.idx.msk [tilespmem:v0+s9+$0x0], $0xffff  }
0x3c: {  	v2 =	vld.idx.msk [tilespmem:v10+s9+$0x0], $0xffff  }
0x3d: {  	v8 =	vadd.f32 v1, v8;
	v1 =	vld.idx.msk [tilespmem:v11+s2+$0x0], $0xffff  }
0x3e: {  	s20 =	simm.s32 $0x9E40;
	v3 =	vadd.f32 v4, v3;
	v0 =	vld.idx.msk [tilespmem:v9+s2+$0x0], $0xffff  }
0x3f: {  	v5 =	vadd.f32 v6, v5;
	v4 =	vld.idx.msk [tilespmem:v12+s9+$0x0], $0xffff;
	[tilespmem:s20+$0x30] =	vst v8  }
0x40: {  	[tilespmem:s20+$0xFFFFFFD0] =	vst v3;
	v3 =	vld.idx.msk [tilespmem:v13+s2+$0x0], $0xffff;
	v7 =	vadd.f32 v17, v7  }
0x41: {  	s21 =	simm.s32 $0x0;
	s22 =	simm.s32 $0x4FC0;
	v6 =	vadd.f32 v16, v15;
	[tilespmem:s20+$0xFFFFFFE0] =	vst v5;
	v5 =	vld.idx.msk [tilespmem:v14+s9+$0x0], $0xffff  }
.LBB2_2:
0x42: {  	v8 =	vld [tilespmem:s22+$0x30];
	[tilespmem:s20+$0xFFFFFFF0] =	vst v7;
	s19 =	sadd.s32 $0x80, s19  }
0x43: {  	s21 =	sadd.s32 $0x8, s21;
	v0 =	vadd.f32 v2, v0;
	v7 =	vld [tilespmem:s19+$0x30];
	[tilespmem:s20+$0xFFFFFFC0] =	vst v6  }
0x44: {  	p0 =	slt.u32 s21, $0x268;
	v2 =	vld [tilespmem:s19+$0xFFFFFFC0]  }
0x45: {  	v6 =	vld [tilespmem:s22+$0xFFFFFFD0];
	[tilespmem:s20+$0x0] =	vst v0;
	v0 =	vadd.f32 v4, v1  }
0x46: {  	v1 =	vld [tilespmem:s19+$0xFFFFFFD0]  }
0x47: {  	v4 =	vld [tilespmem:s22+$0xFFFFFFE0];
	[tilespmem:s20+$0x10] =	vst v0;
	v0 =	vadd.f32 v5, v3  }
0x48: {  	v3 =	vld [tilespmem:s19+$0xFFFFFFE0]  }
0x49: {  	v5 =	vld [tilespmem:s22+$0xFFFFFFF0];
	[tilespmem:s20+$0x20] =	vst v0  }
0x4a: {  	v0 =	vld.idx.msk [tilespmem:v8+s2+$0x0], $0xffff  }
0x4b: {  	v7 =	vld.idx.msk [tilespmem:v7+s9+$0x0], $0xffff  }
0x4c: {  	v8 =	vld [tilespmem:s19+$0xFFFFFFF0]  }
0x4d: {  	v9 =	vld [tilespmem:s22+$0x0]  }
0x4e: {  	v10 =	vld [tilespmem:s19+$0x0]  }
0x4f: {  	v11 =	vld [tilespmem:s22+$0x10]  }
0x50: {  	v12 =	vld [tilespmem:s19+$0x10]  }
0x51: {  	v0 =	vadd.f32 v7, v0;
	v13 =	vld [tilespmem:s22+$0x20]  }
0x52: {  	s20 =	sadd.s32 $0x80, s20;
	v14 =	vld [tilespmem:s19+$0x20]  }
0x53: {  	v7 =	vld [tilespmem:s22+$0xFFFFFFC0];
	[tilespmem:s20+$0x30] =	vst v0  }
0x54: {  	v15 =	vld.idx.msk [tilespmem:v2+s9+$0x0], $0xffff  }
0x55: {  	v0 =	vld.idx.msk [tilespmem:v6+s2+$0x0], $0xffff  }
0x56: {  	v1 =	vld.idx.msk [tilespmem:v1+s9+$0x0], $0xffff  }
0x57: {  	v4 =	vld.idx.msk [tilespmem:v4+s2+$0x0], $0xffff  }
0x58: {  	v3 =	vld.idx.msk [tilespmem:v3+s9+$0x0], $0xffff  }
0x59: {  	v5 =	vld.idx.msk [tilespmem:v5+s2+$0x0], $0xffff  }
0x5a: {  	v6 =	vld.idx.msk [tilespmem:v8+s9+$0x0], $0xffff  }
0x5b: {  	v8 =	vld.idx.msk [tilespmem:v7+s2+$0x0], $0xffff  }
0x5c: {  	v1 =	vadd.f32 v1, v0;
	v0 =	vld.idx.msk [tilespmem:v9+s2+$0x0], $0xffff  }
.Ltmp0:
0x5d: {  	v2 =	vld.idx.msk [tilespmem:v10+s9+$0x0], $0xffff;
	(pc) =	sbr.rel @p0 .LBB2_2-.Ltmp0, $4  }
0x5e: {  	v3 =	vadd.f32 v3, v4;
	[tilespmem:s20+$0xFFFFFFD0] =	vst v1;
	v1 =	vld.idx.msk [tilespmem:v11+s2+$0x0], $0xffff  }
0x5f: {  	v4 =	vld.idx.msk [tilespmem:v12+s9+$0x0], $0xffff  }
0x60: {  	v7 =	vadd.f32 v6, v5;
	[tilespmem:s20+$0xFFFFFFE0] =	vst v3;
	v3 =	vld.idx.msk [tilespmem:v13+s2+$0x0], $0xffff  }
0x61: {  	s22 =	sadd.s32 $0x80, s22;
	v6 =	vadd.f32 v15, v8;
	v5 =	vld.idx.msk [tilespmem:v14+s9+$0x0], $0xffff  }
0x62: {  	_ =	sdelay $0x1  }
0x63: {  	[tilespmem:s20+$0xFFFFFFF0] =	vst v7;
	v0 =	vadd.f32 v2, v0  }
0x64: {  	[tilespmem:s20+$0xFFFFFFC0] =	vst v6;
	v1 =	vadd.f32 v4, v1  }
0x65: {  	[tilespmem:s20+$0x0] =	vst v0;
	v63 =	vadd.f32 v5, v3  }
0x66: {  	[tilespmem:s20+$0x10] =	vst v1  }
0x67: {  	[tilespmem:s20+$0x20] =	vst v63  }
0x68: {  	v0 =	vld [tilespmem:$0x7600]  }
0x69: {  	v1 =	vld [tilespmem:$0x9D80];
	_ =	sdelay $0x6  }
0x6a: {  	v0 =	vld.idx.msk [tilespmem:v0+s2+$0x0], $0xffff  }
0x6b: {  	v1 =	vld.idx.msk [tilespmem:v1+s9+$0x0], $0xffff;
	_ =	sdelay $0x4  }
0x6c: {  	s18 =	sadd.s32 $0x1, s18;
	v0 =	vadd.f32 v1, v0  }
0x6d: {  	p0 =	sne.s32 s18, s8  }
.Ltmp1:
0x6e: {  	[tilespmem:$0xC500] =	vst v0;
	(pc) =	sbr.rel @p0 .LBB2_1-.Ltmp1, $4  }
0x6f: {  	[hbm4b:s7+s2] =	stream.linear.scatter [tilespmem:s16], [sflag:$0x5], $0x2710, $0x38;
	[tilespmem:$0xC580] =	vst v63  }
0x70: {  	_ =	swait.ge [sflag:s17], $0x2710  }
0x71: {  	[sflag:s17] =	ssyncset.done $0x0  }
0x72: {  	[sflag:s17] =	ssyncadd.s32 $0xFFFFD8F0  }
0x73: {  	_ =	sfence.sel $0x180000  }
0x74: {  	[bflag:$0x0] =	sbarrier.arrive $0xFFFF  }
0x75: {  	p0 =	sne.s32 s1, $0x0;
	_ =	strace $0x90000047  }
0x76: {  	s0 =	sadd.s32 @!p0 $0x100000, s0;
	[bflag:$0x2] =	sbarrier.arrive $0xFFFF  }
0x77: {  	[sflag:s0] =	ssyncadd.tile.s32 @!p0 $0x1;
	_ =	shalt  }
.Lfunc_end2:
_tile_overlayer_lowered:
.L_overlay_start_2:
0x78: {  	(tag) =	ssettag $0x2  }
0x79: {  	s0 =	rddreg [dreg:$0x0];
	s2 =	stileid.u32  }
0x7a: {  	s1 =	rddreg [dreg:$0x1];
	p0 =	sne.s32 s2, $0x0  }
0x7b: {  	s3 =	rddreg [dreg:$0x2];
	[bflag:$0x3] =	sbarrier.arrive $0xFFFF;
	s2 =	simm.s32 @!p0 $0x1C05  }
0x7c: {  	[timem:s3], [sflag:s2] =	dma.local @!p0 [hbm:s0], s1  }
0x7d: {  	s0 =	simm.s32 @!p0 $0x5  }
0x7e: {  	_ =	swait.ge @!p0 [sflag:s0], s1  }
0x7f: {  	s1 =	ssub.s32 @!p0 $0x0, s1;
	[sflag:s0] =	ssyncset.done @!p0 $0x0  }
0x80: {  	[sflag:s0] =	ssyncadd.s32 @!p0 s1  }
0x81: {  	[bflag:$0x3] =	sbarrier.arrive $0xFFFF  }
0x82: {  	_ =	shalt  }

</sc_bundles>
